<compile_context>
chip_gen: v7x
topology: tpu7x:2x2x1
jax: 0.10.2.dev20260603
libtpu: 0.0.44.dev20260713+nightly
codegen_flags: <defaults>
</compile_context>

<pallas_src>
import jax
import jax.numpy as jnp
from jax.experimental import pallas as pl
from jax.experimental.pallas import tpu as pltpu
from jax.experimental.pallas import tpu_sc as plsc

_TEMP = 0.1
_THRESH = 0.01
_JBLK = 512
_NCHUNK = 4
_TBLK = 1024


def _routing_kernel(x_ref, cent_ref, len_ref, mask_ref, acc_ref):
    i = pl.program_id(0)
    logits = jax.lax.dot_general(
        x_ref[...], cent_ref[...], (((1,), (1,)), ((), ())),
        preferred_element_type=jnp.float32) * (1.0 / _TEMP)
    m = jnp.max(logits, axis=1, keepdims=True)
    e = jnp.exp(logits - m)
    p = e / jnp.sum(e, axis=1, keepdims=True)
    hot = (p > _THRESH).astype(jnp.float32)
    cblk = jnp.max(hot, axis=0, keepdims=True)

    @pl.when(i == 0)
    def _():
        acc_ref[...] = cblk

    @pl.when(i > 0)
    def _():
        acc_ref[...] = jnp.maximum(acc_ref[...], cblk)

    @pl.when(i == pl.num_programs(0) - 1)
    def _():
        nc, per = mask_ref.shape
        activec = acc_ref[...].reshape(nc, 1)
        lens = len_ref[...].reshape(nc, 1)
        pos = jax.lax.broadcasted_iota(jnp.int32, (nc, per), 1)
        mask_ref[...] = jnp.where(pos < lens, activec, 0.0)


def _sc_scatter_kernel(vals_hbm, idx_hbm, out_hbm, vals_v, idx_v, sem):
    nsc = plsc.get_sparse_core_info().num_cores
    wid = jax.lax.axis_index("s") * nsc + jax.lax.axis_index("c")
    b = vals_v.shape[0]
    base = wid * b
    pltpu.sync_copy(idx_hbm.at[pl.ds(base, b)], idx_v)
    pltpu.sync_copy(vals_hbm.at[pl.ds(base, b)], vals_v)
    pltpu.async_copy(vals_v, out_hbm.at[idx_v], sem).wait()


def _matmul_kernel(x0_ref, x1_ref, x2_ref, x3_ref, w_ref, b_ref, colact_ref,
                   o_ref):
    mask = colact_ref[...]
    b = b_ref[...]
    rows = o_ref.shape[0] // _NCHUNK
    for k, x_ref in enumerate((x0_ref, x1_ref, x2_ref, x3_ref)):
        acc = jax.lax.dot_general(
            x_ref[0], w_ref[...], (((1,), (1,)), ((), ())),
            preferred_element_type=jnp.float32)
        o_ref[pl.ds(k * rows, rows), :] = (acc + b) * mask


def kernel(input, weight, bias, centroids, indices, lengths):
    shape = input.shape
    x = input.reshape(-1, shape[-1])
    n, in_f = x.shape
    out_f = weight.shape[0]
    nc, per = indices.shape
    rows = n // _NCHUNK
    x4 = x.reshape(_NCHUNK, rows, in_f)

    lens2d = lengths.reshape(1, nc).astype(jnp.int32)
    bias2d = bias.reshape(1, out_f)

    mask2d = pl.pallas_call(
        _routing_kernel,
        grid=(n // _TBLK,),
        in_specs=[
            pl.BlockSpec((_TBLK, in_f), lambda i: (i, 0)),
            pl.BlockSpec((nc, in_f), lambda i: (0, 0)),
            pl.BlockSpec((1, nc), lambda i: (0, 0)),
        ],
        out_specs=pl.BlockSpec((nc, per), lambda i: (0, 0)),
        out_shape=jax.ShapeDtypeStruct((nc, per), jnp.float32),
        scratch_shapes=[pltpu.VMEM((1, nc), jnp.float32)],
        compiler_params=pltpu.CompilerParams(
            dimension_semantics=("arbitrary",)),
    )(x, centroids, lens2d)

    info = plsc.get_sparse_core_info()
    nworkers = info.num_cores * info.num_subcores
    colact_flat = pl.kernel(
        _sc_scatter_kernel,
        mesh=plsc.VectorSubcoreMesh(core_axis_name="c", subcore_axis_name="s"),
        out_type=jax.ShapeDtypeStruct((out_f,), jnp.float32),
        scratch_types=[
            pltpu.VMEM((out_f // nworkers,), jnp.float32),
            pltpu.VMEM((out_f // nworkers,), jnp.int32),
            pltpu.SemaphoreType.DMA,
        ],
    )(mask2d.reshape(out_f), indices.reshape(out_f))

    out = pl.pallas_call(
        _matmul_kernel,
        grid=(out_f // _JBLK,),
        in_specs=[
            pl.BlockSpec((1, rows, in_f), (lambda k: (lambda j: (k, 0, 0)))(k))
            for k in range(_NCHUNK)
        ] + [
            pl.BlockSpec((_JBLK, in_f), lambda j: (j, 0)),
            pl.BlockSpec((1, _JBLK), lambda j: (0, j)),
            pl.BlockSpec((1, _JBLK), lambda j: (0, j)),
        ],
        out_specs=pl.BlockSpec((n, _JBLK), lambda j: (0, j)),
        out_shape=jax.ShapeDtypeStruct((n, out_f), jnp.float32),
        compiler_params=pltpu.CompilerParams(
            dimension_semantics=("arbitrary",)),
    )(x4, x4, x4, x4, weight, bias2d, colact_flat.reshape(1, out_f))

    return out.reshape(shape[:-1] + (out_f,))

# --- scband reference (transcript-rebuilt; emitter-appended) ---
"""Pipeline reference for scband-hklinear-29128468201622 (READ-ONLY COPY).

The authoritative reference and input builder live on the scoring server;
editing this copy changes nothing except your own understanding.
"""

import jax, jax.numpy as jnp
import numpy as np

IN_F = 1024
OUT_F = 4096
NC = 16
THRESH = 0.01
TEMP = 0.1


def setup_inputs(seed: int = 0) -> dict:
    key = jax.random.key(seed)
    k1, k2, k3, k4 = jax.random.split(key, 4)
    inp = {}
    inp["input"] = jax.random.normal(k1, (2, 2048, IN_F), dtype=jnp.float32)
    bound = 1.0 / np.sqrt(IN_F)
    inp["weight"] = jax.random.uniform(k2, (OUT_F, IN_F), minval=-bound, maxval=bound, dtype=jnp.float32)
    inp["bias"] = jax.random.uniform(k3, (OUT_F,), minval=-bound, maxval=bound, dtype=jnp.float32)
    inp["centroids"] = jax.random.normal(k4, (NC, IN_F), dtype=jnp.float32) * 0.02
    per = OUT_F // NC
    inp["indices"] = jnp.arange(OUT_F, dtype=jnp.int32).reshape(NC, per)
    inp["lengths"] = jnp.full((NC,), per, dtype=jnp.int32)
    return inp


def reference(input, weight, bias, centroids, indices, lengths):
    shape = input.shape
    x = input.reshape(-1, shape[-1])
    n = x.shape[0]
    dots = jax.nn.softmax((x @ centroids.T) / TEMP, axis=-1)
    hot = dots > THRESH
    active_q = jnp.any(hot, axis=1)
    active_c = jnp.any(hot, axis=0)
    per = indices.shape[1]
    pos_mask = jnp.arange(per, dtype=lengths.dtype)[None, :] < lengths[:, None]
    cluster_mask = active_c[:, None] & pos_mask
    col_active = jnp.zeros((weight.shape[0],), dtype=bool).at[indices.reshape(-1)].max(cluster_mask.reshape(-1))
    out = jnp.zeros((n, weight.shape[0]), dtype=x.dtype)
    dense = x @ weight.T + bias
    out = jnp.where(active_q[:, None] & col_active[None, :], dense, out)
    return out.reshape(shape[:-1] + (-1,))

if __name__ == "__main__":
    import jax
    _d = setup_inputs()
    print(jax.jit(kernel)(*tuple(_d.values())))

</pallas_src>

<mosaic_0001>
#map = affine_map<(d0, d1) -> (0)>
module attributes {stable_mosaic.version = 14 : i64} {
  func.func @_sc_scatter_kernel(%arg0: i32, %arg1: i32, %arg2: memref<4096xf32, #tpu.memory_space<hbm>>, %arg3: memref<4096xi32, #tpu.memory_space<hbm>>, %arg4: memref<4096xf32, #tpu.memory_space<hbm>>, %arg5: memref<128xf32, #tpu.memory_space<vmem>>, %arg6: memref<128xi32, #tpu.memory_space<vmem>>, %arg7: memref<!tpu.dma_semaphore, #tpu.memory_space<semaphore_mem>>) attributes {dimension_semantics = [#tpu.dimension_semantics<core_parallel>, #tpu.dimension_semantics<subcore_parallel>], iteration_bounds = array<i64: 2, 16>, scalar_prefetch = 0 : i64, scratch_operands = 3 : i64, tpu.core_type = #tpu.core_type<sc_vector_subcore>, window_params = [{transform_indices = #map}, {transform_indices = #map}, {transform_indices = #map}]} {
    %mul3A = arith.constant 2 : i32
    %mul3A_0 = arith.muli %arg1, %mul3A : i32
    %add3A = arith.addi %mul3A_0, %arg0 : i32
    %mul3A_1 = arith.constant 128 : i32
    %mul3A_2 = arith.muli %add3A, %mul3A_1 : i32
    "tpu.region"() ({
      %run_scoped3A = tpu.sem_alloc : memref<!tpu.dma_semaphore, #tpu.memory_space<semaphore_mem>>
      %dma_start3A_5 = tpu.memref_slice %arg3[%mul3A_2] : memref<4096xi32, #tpu.memory_space<hbm>> -> memref<128xi32, #tpu.memory_space<hbm>>
      %dma_start3A_6 = tpu.memref_slice %arg3[%mul3A_2] : memref<4096xi32, #tpu.memory_space<hbm>> -> memref<128xi32, #tpu.memory_space<hbm>>
      tpu.enqueue_dma source(%dma_start3A_6 : memref<128xi32, #tpu.memory_space<hbm>>) target(%arg6 : memref<128xi32, #tpu.memory_space<vmem>>) target_semaphore(%run_scoped3A : memref<!tpu.dma_semaphore, #tpu.memory_space<semaphore_mem>>)
      %dma_wait3A_7 = tpu.memref_slice %arg3[%mul3A_2] : memref<4096xi32, #tpu.memory_space<hbm>> -> memref<128xi32, #tpu.memory_space<hbm>>
      %dma_wait3A_8 = tpu.memref_slice %arg3[%mul3A_2] : memref<4096xi32, #tpu.memory_space<hbm>> -> memref<128xi32, #tpu.memory_space<hbm>>
      tpu.wait_dma2 semaphore(%run_scoped3A : memref<!tpu.dma_semaphore, #tpu.memory_space<semaphore_mem>>) src(%dma_wait3A_8 : memref<128xi32, #tpu.memory_space<hbm>>) dst(%arg6 : memref<128xi32, #tpu.memory_space<vmem>>)
      tpu.yield
    }) : () -> ()
    "tpu.region"() ({
      %run_scoped3A = tpu.sem_alloc : memref<!tpu.dma_semaphore, #tpu.memory_space<semaphore_mem>>
      %dma_start3A_5 = tpu.memref_slice %arg2[%mul3A_2] : memref<4096xf32, #tpu.memory_space<hbm>> -> memref<128xf32, #tpu.memory_space<hbm>>
      %dma_start3A_6 = tpu.memref_slice %arg2[%mul3A_2] : memref<4096xf32, #tpu.memory_space<hbm>> -> memref<128xf32, #tpu.memory_space<hbm>>
      tpu.enqueue_dma source(%dma_start3A_6 : memref<128xf32, #tpu.memory_space<hbm>>) target(%arg5 : memref<128xf32, #tpu.memory_space<vmem>>) target_semaphore(%run_scoped3A : memref<!tpu.dma_semaphore, #tpu.memory_space<semaphore_mem>>)
      %dma_wait3A_7 = tpu.memref_slice %arg2[%mul3A_2] : memref<4096xf32, #tpu.memory_space<hbm>> -> memref<128xf32, #tpu.memory_space<hbm>>
      %dma_wait3A_8 = tpu.memref_slice %arg2[%mul3A_2] : memref<4096xf32, #tpu.memory_space<hbm>> -> memref<128xf32, #tpu.memory_space<hbm>>
      tpu.wait_dma2 semaphore(%run_scoped3A : memref<!tpu.dma_semaphore, #tpu.memory_space<semaphore_mem>>) src(%dma_wait3A_8 : memref<128xf32, #tpu.memory_space<hbm>>) dst(%arg5 : memref<128xf32, #tpu.memory_space<vmem>>)
      tpu.yield
    }) : () -> ()
    %dma_start3A = arith.constant 0 : i32
    %dma_start3A_3 = tpu.memref_slice %arg4[%dma_start3A] : memref<4096xf32, #tpu.memory_space<hbm>> -> memref<4096xf32, #tpu.memory_space<hbm>>
    tpu.enqueue_indirect_dma source(%arg5 : memref<128xf32, #tpu.memory_space<vmem>>) target(%dma_start3A_3 : memref<4096xf32, #tpu.memory_space<hbm>>) offsets(%arg6 : memref<128xi32, #tpu.memory_space<vmem>>) semaphore(%arg7 : memref<!tpu.dma_semaphore, #tpu.memory_space<semaphore_mem>>)
    %dma_wait3A = arith.constant 0 : i32
    %dma_wait3A_4 = tpu.memref_slice %arg4[%dma_wait3A] : memref<4096xf32, #tpu.memory_space<hbm>> -> memref<4096xf32, #tpu.memory_space<hbm>>
    tpu.wait_indirect_dma semaphore(%arg7 : memref<!tpu.dma_semaphore, #tpu.memory_space<semaphore_mem>>) src(%arg5 : memref<128xf32, #tpu.memory_space<vmem>>) dst(%dma_wait3A_4 : memref<4096xf32, #tpu.memory_space<hbm>>)
    return
  }
}

module attributes {stable_mosaic.version = 14 : i64} {
  func.func @_matmul_kernel(%arg0: i32, %arg1: memref<1x1024x1024xf32, #tpu.memory_space<vmem>>, %arg2: memref<1x1024x1024xf32, #tpu.memory_space<vmem>>, %arg3: memref<1x1024x1024xf32, #tpu.memory_space<vmem>>, %arg4: memref<1x1024x1024xf32, #tpu.memory_space<vmem>>, %arg5: memref<512x1024xf32, #tpu.memory_space<vmem>>, %arg6: memref<1x512xf32, #tpu.memory_space<vmem>>, %arg7: memref<1x512xf32, #tpu.memory_space<vmem>>, %arg8: memref<4096x512xf32, #tpu.memory_space<vmem>>) attributes {dimension_semantics = [#tpu.dimension_semantics<arbitrary>], iteration_bounds = array<i64: 8>, scalar_prefetch = 0 : i64, scratch_operands = 0 : i64, tpu.core_type = #tpu.core_type<tc>, window_params = [{transform_indices = @transform_0, window_bounds = array<i64: 1, 1024, 1024>}, {transform_indices = @transform_1, window_bounds = array<i64: 1, 1024, 1024>}, {transform_indices = @transform_2, window_bounds = array<i64: 1, 1024, 1024>}, {transform_indices = @transform_3, window_bounds = array<i64: 1, 1024, 1024>}, {transform_indices = @transform_4, window_bounds = array<i64: 512, 1024>}, {transform_indices = @transform_5, window_bounds = array<i64: 1, 512>}, {transform_indices = @transform_6, window_bounds = array<i64: 1, 512>}, {transform_indices = @transform_7, window_bounds = array<i64: 4096, 512>}]} {
    %get3A = arith.constant 0 : index
    %get3A_0 = arith.constant 0 : index
    %get3A_1 = vector.load %arg7[%get3A, %get3A_0] : memref<1x512xf32, #tpu.memory_space<vmem>>, vector<1x512xf32>
    %get3A_2 = arith.constant 0 : index
    %get3A_3 = arith.constant 0 : index
    %get3A_4 = vector.load %arg6[%get3A_2, %get3A_3] : memref<1x512xf32, #tpu.memory_space<vmem>>, vector<1x512xf32>
    %get3A_5 = arith.constant 0 : index
    %get3A_6 = arith.constant 0 : index
    %get3A_7 = arith.constant 0 : index
    %get3A_8 = vector.load %arg1[%get3A_5, %get3A_6, %get3A_7] : memref<1x1024x1024xf32, #tpu.memory_space<vmem>>, vector<1x1024x1024xf32>
    %get3A_9 = vector.shape_cast %get3A_8 : vector<1x1024x1024xf32> to vector<1024x1024xf32>
    %get3A_10 = arith.constant 0 : index
    %get3A_11 = arith.constant 0 : index
    %get3A_12 = vector.load %arg5[%get3A_10, %get3A_11] : memref<512x1024xf32, #tpu.memory_space<vmem>>, vector<512x1024xf32>
    %dot_general3A = arith.constant dense<0.000000e+00> : vector<1024x512xf32>
    %dot_general3A_13 = tpu.matmul %get3A_9, %get3A_12, %dot_general3A {dimension_numbers = #tpu.dot_dimension_numbers<[1], [1], [0], [0], [0, 0, 1, 0], [], []>, transpose_lhs_hint = false} : vector<1024x1024xf32>, vector<512x1024xf32>, vector<1024x512xf32> -> vector<1024x512xf32>
    %add3A = vector.broadcast %get3A_4 : vector<1x512xf32> to vector<1024x512xf32>
    %add3A_14 = arith.addf %dot_general3A_13, %add3A : vector<1024x512xf32>
    %mul3A = vector.broadcast %get3A_1 : vector<1x512xf32> to vector<1024x512xf32>
    %mul3A_15 = arith.mulf %add3A_14, %mul3A : vector<1024x512xf32>
    %swap3A = arith.constant 0 : index
    %swap3A_16 = arith.constant 0 : index
    %swap3A_17 = vector.load %arg8[%swap3A, %swap3A_16] : memref<4096x512xf32, #tpu.memory_space<vmem>>, vector<1024x512xf32>
    tpu.vector_store %arg8[%swap3A, %swap3A_16], %mul3A_15 {strides = array<i32>} : memref<4096x512xf32, #tpu.memory_space<vmem>>, vector<1024x512xf32>,
    %get3A_18 = arith.constant 0 : index
    %get3A_19 = arith.constant 0 : index
    %get3A_20 = arith.constant 0 : index
    %get3A_21 = vector.load %arg2[%get3A_18, %get3A_19, %get3A_20] : memref<1x1024x1024xf32, #tpu.memory_space<vmem>>, vector<1x1024x1024xf32>
    %get3A_22 = vector.shape_cast %get3A_21 : vector<1x1024x1024xf32> to vector<1024x1024xf32>
    %get3A_23 = arith.constant 0 : index
    %get3A_24 = arith.constant 0 : index
    %get3A_25 = vector.load %arg5[%get3A_23, %get3A_24] : memref<512x1024xf32, #tpu.memory_space<vmem>>, vector<512x1024xf32>
    %dot_general3A_26 = arith.constant dense<0.000000e+00> : vector<1024x512xf32>
    %dot_general3A_27 = tpu.matmul %get3A_22, %get3A_25, %dot_general3A_26 {dimension_numbers = #tpu.dot_dimension_numbers<[1], [1], [0], [0], [0, 0, 1, 0], [], []>, transpose_lhs_hint = false} : vector<1024x1024xf32>, vector<512x1024xf32>, vector<1024x512xf32> -> vector<1024x512xf32>
    %add3A_28 = vector.broadcast %get3A_4 : vector<1x512xf32> to vector<1024x512xf32>
    %add3A_29 = arith.addf %dot_general3A_27, %add3A_28 : vector<1024x512xf32>
    %mul3A_30 = vector.broadcast %get3A_1 : vector<1x512xf32> to vector<1024x512xf32>
    %mul3A_31 = arith.mulf %add3A_29, %mul3A_30 : vector<1024x512xf32>
    %swap3A_32 = arith.constant 1024 : index
    %swap3A_33 = arith.constant 0 : index
    %swap3A_34 = vector.load %arg8[%swap3A_32, %swap3A_33] : memref<4096x512xf32, #tpu.memory_space<vmem>>, vector<1024x512xf32>
    tpu.vector_store %arg8[%swap3A_32, %swap3A_33], %mul3A_31 {strides = array<i32>} : memref<4096x512xf32, #tpu.memory_space<vmem>>, vector<1024x512xf32>,
    %get3A_35 = arith.constant 0 : index
    %get3A_36 = arith.constant 0 : index
    %get3A_37 = arith.constant 0 : index
    %get3A_38 = vector.load %arg3[%get3A_35, %get3A_36, %get3A_37] : memref<1x1024x1024xf32, #tpu.memory_space<vmem>>, vector<1x1024x1024xf32>
    %get3A_39 = vector.shape_cast %get3A_38 : vector<1x1024x1024xf32> to vector<1024x1024xf32>
    %get3A_40 = arith.constant 0 : index
    %get3A_41 = arith.constant 0 : index
    %get3A_42 = vector.load %arg5[%get3A_40, %get3A_41] : memref<512x1024xf32, #tpu.memory_space<vmem>>, vector<512x1024xf32>
    %dot_general3A_43 = arith.constant dense<0.000000e+00> : vector<1024x512xf32>
    %dot_general3A_44 = tpu.matmul %get3A_39, %get3A_42, %dot_general3A_43 {dimension_numbers = #tpu.dot_dimension_numbers<[1], [1], [0], [0], [0, 0, 1, 0], [], []>, transpose_lhs_hint = false} : vector<1024x1024xf32>, vector<512x1024xf32>, vector<1024x512xf32> -> vector<1024x512xf32>
    %add3A_45 = vector.broadcast %get3A_4 : vector<1x512xf32> to vector<1024x512xf32>
    %add3A_46 = arith.addf %dot_general3A_44, %add3A_45 : vector<1024x512xf32>
    %mul3A_47 = vector.broadcast %get3A_1 : vector<1x512xf32> to vector<1024x512xf32>
    %mul3A_48 = arith.mulf %add3A_46, %mul3A_47 : vector<1024x512xf32>
    %swap3A_49 = arith.constant 2048 : index
    %swap3A_50 = arith.constant 0 : index
    %swap3A_51 = vector.load %arg8[%swap3A_49, %swap3A_50] : memref<4096x512xf32, #tpu.memory_space<vmem>>, vector<1024x512xf32>
    tpu.vector_store %arg8[%swap3A_49, %swap3A_50], %mul3A_48 {strides = array<i32>} : memref<4096x512xf32, #tpu.memory_space<vmem>>, vector<1024x512xf32>,
    %get3A_52 = arith.constant 0 : index
    %get3A_53 = arith.constant 0 : index
    %get3A_54 = arith.constant 0 : index
    %get3A_55 = vector.load %arg4[%get3A_52, %get3A_53, %get3A_54] : memref<1x1024x1024xf32, #tpu.memory_space<vmem>>, vector<1x1024x1024xf32>
    %get3A_56 = vector.shape_cast %get3A_55 : vector<1x1024x1024xf32> to vector<1024x1024xf32>
    %get3A_57 = arith.constant 0 : index
    %get3A_58 = arith.constant 0 : index
    %get3A_59 = vector.load %arg5[%get3A_57, %get3A_58] : memref<512x1024xf32, #tpu.memory_space<vmem>>, vector<512x1024xf32>
    %dot_general3A_60 = arith.constant dense<0.000000e+00> : vector<1024x512xf32>
    %dot_general3A_61 = tpu.matmul %get3A_56, %get3A_59, %dot_general3A_60 {dimension_numbers = #tpu.dot_dimension_numbers<[1], [1], [0], [0], [0, 0, 1, 0], [], []>, transpose_lhs_hint = false} : vector<1024x1024xf32>, vector<512x1024xf32>, vector<1024x512xf32> -> vector<1024x512xf32>
    %add3A_62 = vector.broadcast %get3A_4 : vector<1x512xf32> to vector<1024x512xf32>
    %add3A_63 = arith.addf %dot_general3A_61, %add3A_62 : vector<1024x512xf32>
    %mul3A_64 = vector.broadcast %get3A_1 : vector<1x512xf32> to vector<1024x512xf32>
    %mul3A_65 = arith.mulf %add3A_63, %mul3A_64 : vector<1024x512xf32>
    %swap3A_66 = arith.constant 3072 : index
    %swap3A_67 = arith.constant 0 : index
    %swap3A_68 = vector.load %arg8[%swap3A_66, %swap3A_67] : memref<4096x512xf32, #tpu.memory_space<vmem>>, vector<1024x512xf32>
    tpu.vector_store %arg8[%swap3A_66, %swap3A_67], %mul3A_65 {strides = array<i32>} : memref<4096x512xf32, #tpu.memory_space<vmem>>, vector<1024x512xf32>,
    return
  }
  func.func @transform_0(%arg0: i32) -> (i32, i32, i32) {
    %c0_i32 = arith.constant 0 : i32
    %c0_i32_0 = arith.constant 0 : i32
    %c0_i32_1 = arith.constant 0 : i32
    %c0_i32_2 = arith.constant 0 : i32
    return %c0_i32, %c0_i32_0, %c0_i32_1 : i32, i32, i32
  }
  func.func @transform_1(%arg0: i32) -> (i32, i32, i32) {
    %c1_i32 = arith.constant 1 : i32
    %c0_i32 = arith.constant 0 : i32
    %c0_i32_0 = arith.constant 0 : i32
    %c0_i32_1 = arith.constant 0 : i32
    return %c1_i32, %c0_i32, %c0_i32_0 : i32, i32, i32
  }
  func.func @transform_2(%arg0: i32) -> (i32, i32, i32) {
    %c2_i32 = arith.constant 2 : i32
    %c0_i32 = arith.constant 0 : i32
    %c0_i32_0 = arith.constant 0 : i32
    %c0_i32_1 = arith.constant 0 : i32
    return %c2_i32, %c0_i32, %c0_i32_0 : i32, i32, i32
  }
  func.func @transform_3(%arg0: i32) -> (i32, i32, i32) {
    %c3_i32 = arith.constant 3 : i32
    %c0_i32 = arith.constant 0 : i32
    %c0_i32_0 = arith.constant 0 : i32
    %c0_i32_1 = arith.constant 0 : i32
    return %c3_i32, %c0_i32, %c0_i32_0 : i32, i32, i32
  }
  func.func @transform_4(%arg0: i32) -> (i32, i32) {
    %c0_i32 = arith.constant 0 : i32
    %c0_i32_0 = arith.constant 0 : i32
    return %arg0, %c0_i32 : i32, i32
  }
  func.func @transform_5(%arg0: i32) -> (i32, i32) {
    %c0_i32 = arith.constant 0 : i32
    %c0_i32_0 = arith.constant 0 : i32
    return %c0_i32, %arg0 : i32, i32
  }
  func.func @transform_6(%arg0: i32) -> (i32, i32) {
    %c0_i32 = arith.constant 0 : i32
    %c0_i32_0 = arith.constant 0 : i32
    return %c0_i32, %arg0 : i32, i32
  }
  func.func @transform_7(%arg0: i32) -> (i32, i32) {
    %c0_i32 = arith.constant 0 : i32
    %c0_i32_0 = arith.constant 0 : i32
    return %c0_i32, %arg0 : i32, i32
  }
}

module attributes {stable_mosaic.version = 14 : i64} {
  func.func @_routing_kernel(%arg0: i32, %arg1: memref<1024x1024xf32, #tpu.memory_space<vmem>>, %arg2: memref<16x1024xf32, #tpu.memory_space<vmem>>, %arg3: memref<1x16xi32, #tpu.memory_space<vmem>>, %arg4: memref<16x256xf32, #tpu.memory_space<vmem>>, %arg5: memref<1x16xf32, #tpu.memory_space<vmem>>) attributes {dimension_semantics = [#tpu.dimension_semantics<arbitrary>], iteration_bounds = array<i64: 4>, scalar_prefetch = 0 : i64, scratch_operands = 1 : i64, tpu.core_type = #tpu.core_type<tc>, window_params = [{transform_indices = @transform_0, window_bounds = array<i64: 1024, 1024>}, {pipeline_mode = #tpu.pipeline_mode<synchronous>, transform_indices = @transform_1, window_bounds = array<i64: 16, 1024>}, {pipeline_mode = #tpu.pipeline_mode<synchronous>, transform_indices = @transform_2, window_bounds = array<i64: 1, 16>}, {pipeline_mode = #tpu.pipeline_mode<synchronous>, transform_indices = @transform_3, window_bounds = array<i64: 16, 256>}]} {
    %get3A = arith.constant 0 : index
    %get3A_0 = arith.constant 0 : index
    %get3A_1 = vector.load %arg1[%get3A, %get3A_0] : memref<1024x1024xf32, #tpu.memory_space<vmem>>, vector<1024x1024xf32>
    %get3A_2 = arith.constant 0 : index
    %get3A_3 = arith.constant 0 : index
    %get3A_4 = vector.load %arg2[%get3A_2, %get3A_3] : memref<16x1024xf32, #tpu.memory_space<vmem>>, vector<16x1024xf32>
    %dot_general3A = arith.constant dense<0.000000e+00> : vector<1024x16xf32>
    %dot_general3A_5 = tpu.matmul %get3A_1, %get3A_4, %dot_general3A {dimension_numbers = #tpu.dot_dimension_numbers<[1], [1], [0], [0], [0, 0, 1, 0], [], []>, transpose_lhs_hint = false} : vector<1024x1024xf32>, vector<16x1024xf32>, vector<1024x16xf32> -> vector<1024x16xf32>
    %mul3A = arith.constant 1.000000e+01 : f32
    %mul3A_6 = vector.broadcast %mul3A : f32 to vector<1024x16xf32>
    %mul3A_7 = arith.mulf %dot_general3A_5, %mul3A_6 : vector<1024x16xf32>
    %reduce_max3A = arith.constant dense<0xFF800000> : vector<1024xf32>
    %reduce_max3A_8 = vector.multi_reduction <maximumf>, %mul3A_7, %reduce_max3A [1] : vector<1024x16xf32> to vector<1024xf32>
    %broadcast_in_dim3A = vector.shape_cast %reduce_max3A_8 : vector<1024xf32> to vector<1024x1xf32>
    %sub3A = vector.broadcast %broadcast_in_dim3A : vector<1024x1xf32> to vector<1024x16xf32>
    %sub3A_9 = arith.subf %mul3A_7, %sub3A : vector<1024x16xf32>
    %exp3A = math.exp %sub3A_9 : vector<1024x16xf32>
    %reduce_sum3A = arith.constant dense<0.000000e+00> : vector<1024xf32>
    %reduce_sum3A_10 = vector.multi_reduction <add>, %exp3A, %reduce_sum3A [1] : vector<1024x16xf32> to vector<1024xf32>
    %broadcast_in_dim3A_11 = vector.shape_cast %reduce_sum3A_10 : vector<1024xf32> to vector<1024x1xf32>
    %div3A = vector.broadcast %broadcast_in_dim3A_11 : vector<1024x1xf32> to vector<1024x16xf32>
    %div3A_12 = arith.divf %exp3A, %div3A : vector<1024x16xf32>
    %gt3A = arith.constant 0.00999999977 : f32
    %gt3A_13 = vector.broadcast %gt3A : f32 to vector<1024x16xf32>
    %gt3A_14 = arith.cmpf ogt, %div3A_12, %gt3A_13 : vector<1024x16xf32>
    %convert_element_type3A = arith.extui %gt3A_14 : vector<1024x16xi1> to vector<1024x16xi32>
    %convert_element_type3A_15 = arith.sitofp %convert_element_type3A : vector<1024x16xi32> to vector<1024x16xf32>
    %reduce_max3A_16 = arith.constant dense<0xFF800000> : vector<16xf32>
    %reduce_max3A_17 = vector.multi_reduction <maximumf>, %convert_element_type3A_15, %reduce_max3A_16 [0] : vector<1024x16xf32> to vector<16xf32>
    %broadcast_in_dim3A_18 = vector.shape_cast %reduce_max3A_17 : vector<16xf32> to vector<1x16xf32>
    %eq3A = arith.constant 0 : i32
    %eq3A_19 = arith.cmpi eq, %arg0, %eq3A : i32
    %convert_element_type3A_20 = arith.extui %eq3A_19 : i1 to i32
    %cond3A = arith.constant 0 : i32
    %cond3A_21 = arith.cmpi ne, %convert_element_type3A_20, %cond3A : i32
    scf.if %cond3A_21 {
      %swap3A = arith.constant 0 : index
      %swap3A_32 = arith.constant 0 : index
      %swap3A_33 = vector.load %arg5[%swap3A, %swap3A_32] : memref<1x16xf32, #tpu.memory_space<vmem>>, vector<1x16xf32>
      tpu.vector_store %arg5[%swap3A, %swap3A_32], %broadcast_in_dim3A_18 {strides = array<i32>} : memref<1x16xf32, #tpu.memory_space<vmem>>, vector<1x16xf32>,
    } else {
    }
    %gt3A_22 = arith.constant 0 : i32
    %gt3A_23 = arith.cmpi sgt, %arg0, %gt3A_22 : i32
    %convert_element_type3A_24 = arith.extui %gt3A_23 : i1 to i32
    %cond3A_25 = arith.constant 0 : i32
    %cond3A_26 = arith.cmpi ne, %convert_element_type3A_24, %cond3A_25 : i32
    scf.if %cond3A_26 {
      %get3A_32 = arith.constant 0 : index
      %get3A_33 = arith.constant 0 : index
      %get3A_34 = vector.load %arg5[%get3A_32, %get3A_33] : memref<1x16xf32, #tpu.memory_space<vmem>>, vector<1x16xf32>
      %max3A = arith.maximumf %get3A_34, %broadcast_in_dim3A_18 : vector<1x16xf32>
      %swap3A = arith.constant 0 : index
      %swap3A_35 = arith.constant 0 : index
      %swap3A_36 = vector.load %arg5[%swap3A, %swap3A_35] : memref<1x16xf32, #tpu.memory_space<vmem>>, vector<1x16xf32>
      tpu.vector_store %arg5[%swap3A, %swap3A_35], %max3A {strides = array<i32>} : memref<1x16xf32, #tpu.memory_space<vmem>>, vector<1x16xf32>,
    } else {
    }
    %eq3A_27 = arith.constant 3 : i32
    %eq3A_28 = arith.cmpi eq, %arg0, %eq3A_27 : i32
    %convert_element_type3A_29 = arith.extui %eq3A_28 : i1 to i32
    %cond3A_30 = arith.constant 0 : i32
    %cond3A_31 = arith.cmpi ne, %convert_element_type3A_29, %cond3A_30 : i32
    scf.if %cond3A_31 {
      %get3A_32 = arith.constant 0 : index
      %get3A_33 = arith.constant 0 : index
      %get3A_34 = vector.load %arg5[%get3A_32, %get3A_33] : memref<1x16xf32, #tpu.memory_space<vmem>>, vector<1x16xf32>
      %reshape3A = vector.shape_cast %get3A_34 : vector<1x16xf32> to vector<16x1xf32>
      %get3A_35 = arith.constant 0 : index
      %get3A_36 = arith.constant 0 : index
      %get3A_37 = vector.load %arg3[%get3A_35, %get3A_36] : memref<1x16xi32, #tpu.memory_space<vmem>>, vector<1x16xi32>
      %reshape3A_38 = vector.shape_cast %get3A_37 : vector<1x16xi32> to vector<16x1xi32>
      %iota3A = tpu.iota {dimensions = array<i32: 1>} : vector<16x256xi32>
      %lt3A = vector.broadcast %reshape3A_38 : vector<16x1xi32> to vector<16x256xi32>
      %lt3A_39 = arith.cmpi slt, %iota3A, %lt3A : vector<16x256xi32>
      %jit3A = arith.constant 0.000000e+00 : f32
      %broadcast_in_dim3A_40 = vector.shape_cast %reshape3A : vector<16x1xf32> to vector<16x1xf32>
      %broadcast_in_dim3A_41 = vector.broadcast %broadcast_in_dim3A_40 : vector<16x1xf32> to vector<16x256xf32>
      %broadcast_in_dim3A_42 = vector.broadcast %jit3A : f32 to vector<16x256xf32>
      %select_n3A = arith.select %lt3A_39, %broadcast_in_dim3A_41, %broadcast_in_dim3A_42 : vector<16x256xi1>, vector<16x256xf32>
      %swap3A = arith.constant 0 : index
      %swap3A_43 = arith.constant 0 : index
      %swap3A_44 = vector.load %arg4[%swap3A, %swap3A_43] : memref<16x256xf32, #tpu.memory_space<vmem>>, vector<16x256xf32>
      tpu.vector_store %arg4[%swap3A, %swap3A_43], %select_n3A {strides = array<i32>} : memref<16x256xf32, #tpu.memory_space<vmem>>, vector<16x256xf32>,
    } else {
    }
    return
  }
  func.func @transform_0(%arg0: i32) -> (i32, i32) {
    %c0_i32 = arith.constant 0 : i32
    %c0_i32_0 = arith.constant 0 : i32
    return %arg0, %c0_i32 : i32, i32
  }
  func.func @transform_1(%arg0: i32) -> (i32, i32) {
    %c0_i32 = arith.constant 0 : i32
    %c0_i32_0 = arith.constant 0 : i32
    %c0_i32_1 = arith.constant 0 : i32
    return %c0_i32, %c0_i32_0 : i32, i32
  }
  func.func @transform_2(%arg0: i32) -> (i32, i32) {
    %c0_i32 = arith.constant 0 : i32
    %c0_i32_0 = arith.constant 0 : i32
    %c0_i32_1 = arith.constant 0 : i32
    return %c0_i32, %c0_i32_0 : i32, i32
  }
  func.func @transform_3(%arg0: i32) -> (i32, i32) {
    %c0_i32 = arith.constant 0 : i32
    %c0_i32_0 = arith.constant 0 : i32
    %c0_i32_1 = arith.constant 0 : i32
    return %c0_i32, %c0_i32_0 : i32, i32
  }
}

</mosaic_0001>

<sc_bundles>
// kernel: kernel.5.cloned.1.call-start
scs
__scs_entry_jumppad:
0x0: {  	(pc) =	sbr.rel $0x88, $3  }
0x1: {  	(tag) =	ssettag $0x0;
	lr =	simm.s32 $0x1  }
0x2: {  	[smem:$0x3F9B] =	sst lr;
	_ =	strace $0xD0000000  }
0x3: {  	_ = 	snop  }
0x4: {  	_ = 	snop  }
0x5: {  	_ = 	snop  }
0x6: {  	_ = 	snop  }
0x7: {  	_ = 	snop  }
__scs_overlays_trampoline_lowered:
0x8: {  	[smem:$0x3FAA] =	sst s0  }
0x9: {  	[smem:$0x3FAB] =	sst s1  }
0xa: {  	[smem:$0x3FAC] =	sst s2  }
0xb: {  	[smem:$0x3FAD] =	sst s3  }
0xc: {  	[smem:$0x3FAE] =	sst s4  }
0xd: {  	[smem:$0x3FAF] =	sst s5  }
0xe: {  	[smem:$0x3FB0] =	sst s6  }
0xf: {  	[smem:$0x3FB1] =	sst s7  }
0x10: {  	[smem:$0x3FB2] =	sst s8  }
0x11: {  	[smem:$0x3FB3] =	sst s9;
	s0 =	simm.s32 @!p0 $0x0  }
0x12: {  	s1 =	sld [smem:$0x3F99];
	s0 =	simm.s32 @p0 $0x1  }
0x13: {  	[smem:$0x3FB4] =	sst s0;
	s0 =	simm.s32 @!p1 $0x0  }
0x14: {  	s2 =	sld [smem:$0x3F98];
	s0 =	simm.s32 @p1 $0x1  }
0x15: {  	[smem:$0x3FB5] =	sst s0;
	s0 =	simm.s32 @!p2 $0x0  }
0x16: {  	s3 =	sld [smem:$0x3FDB];
	s0 =	simm.s32 @p2 $0x1  }
0x17: {  	s4 =	simm.s32 $0x1BF5;
	[smem:$0x3FB7] =	sst s0  }
0x18: {  	s0 =	sld [smem:$0x3F9A];
	_ =	swait.ge [sflag:s4], $0x0  }
0x19: {  	s7 =	sld [smem:$0x3F9B]  }
0x1a: {  	s8 =	sadd.s32 $0xFFFFE003, lr  }
0x1b: {  	s9 =	sadd.s32 $0xFFFFFEF7, lr;
	s5 =	simm.s32 $0xFFFFFFFF;
	p2 =	slt.u32 s8, $0xFFFFF086  }
0x1c: {  	p1 =	slt.u32 s9, $0xF7A;
	s5 =	simm.s32 @!p2 $0x0  }
0x1d: {  	s5 =	simm.s32 @p1 $0x1;
	p0 =	seq.s32 s7, s2  }
0x1e: {  	s7 =	smul.u32 @!p0 $0xF7A, s2;
	p2 =	seq.s32 @!p0 s5, $0x0  }
0x1f: {  	s9 =	smul.u32 $0xF7A, s1;
	s8 =	simm.s32 @!p0 $0x1BF5;
	p2 =	por !p2, p0  }
0x20: {  	[sflag:s8] =	ssyncset.s32 @!p0 $0xFFFFF086;
	s6 =	sadd.s32 @!p0 s3, s7;
	s7 =	simm.s32 @!p0 $0x108  }
0x21: {  	s3 =	sadd.s32 s3, s9;
	s6 =	sadd.s32 @!p0 $0x88, s6;
	s7 =	simm.s32 @p2 $0x1082  }
0x22: {  	[simem:s7], [sflag:s8] =	dma.local @!p0 [hbm:s6], $0xF7A  }
0x23: {  	s9 =	sor.u32 $0xD0000000, s2;
	s6 =	simm.s32 $0x108;
	_ =	swait.ge @!p0 [sflag:s8], $0x0  }
0x24: {  	s3 =	sadd.s32 $0x88, s3;
	s6 =	simm.s32 @!p1 $0x1082;
	[sflag:s4] =	ssyncset.s32 $0xFFFFF086  }
0x25: {  	[simem:s6], [sflag:s4] =	dma.local [hbm:s3], $0xF7A  }
0x26: {  	[smem:$0x3F9B] =	sst s1;
	(tag) =	ssettag s2;
	_ =	strace s9  }
0x27: {  	s1 =	sld [smem:$0x3FAB]  }
0x28: {  	s2 =	sld [smem:$0x3FAC]  }
0x29: {  	s4 =	sld [smem:$0x3FAE]  }
0x2a: {  	p0 =	seq.s32 s5, $0x0;
	s5 =	sld [smem:$0x3FAF]  }
0x2b: {  	s6 =	sld [smem:$0x3FB0]  }
0x2c: {  	s7 =	sld [smem:$0x3FB1]  }
0x2d: {  	s3 =	simm.s32 $0x108;
	s8 =	sld [smem:$0x3FB2]  }
0x2e: {  	s3 =	simm.s32 @!p0 $0x1082;
	s9 =	sld [smem:$0x3FB3]  }
0x2f: {  	lr =	sadd.s32 s0, s3;
	s0 =	sld [smem:$0x3FAA]  }
0x30: {  	s3 =	sld [smem:$0x3FAD]  }
0x31: {  	[smem:$0x3FB6] =	sst s10  }
0x32: {  	s10 =	sld [smem:$0x3FB4];
	_ =	sdelay $0x3  }
0x33: {  	p0 =	seq.s32 s10, $0x1;
	s10 =	sld [smem:$0x3FB6];
	_ =	sdelay $0x3  }
0x34: {  	[smem:$0x3FB6] =	sst s10  }
0x35: {  	s10 =	sld [smem:$0x3FB5];
	_ =	sdelay $0x3  }
0x36: {  	p1 =	seq.s32 s10, $0x1;
	s10 =	sld [smem:$0x3FB6];
	_ =	sdelay $0x3  }
0x37: {  	[smem:$0x3FB6] =	sst s10  }
0x38: {  	s10 =	sld [smem:$0x3FB7]  }
0x39: {  	_ = 	snop;
	(pc) =	sbr.ind lr, $3  }
0x3a: {  	_ = 	snop  }
0x3b: {  	_ = 	snop  }
0x3c: {  	p2 =	seq.s32 s10, $0x1;
	s10 =	sld [smem:$0x3FB6]  }
0x3d: {  	_ =	shalt  }
0x3e: {  	_ =	shalt  }
0x3f: {  	_ =	shalt  }
0x40: {  	_ =	shalt  }
0x41: {  	_ =	shalt  }
0x42: {  	_ =	shalt  }
0x43: {  	_ =	shalt  }
0x44: {  	_ =	shalt  }
0x45: {  	_ =	shalt  }
0x46: {  	_ =	shalt  }
0x47: {  	_ =	shalt  }
0x48: {  	_ =	shalt  }
0x49: {  	_ =	shalt  }
0x4a: {  	_ =	shalt  }
0x4b: {  	_ =	shalt  }
0x4c: {  	_ =	shalt  }
0x4d: {  	_ =	shalt  }
0x4e: {  	_ =	shalt  }
0x4f: {  	_ =	shalt  }
0x50: {  	_ =	shalt  }
0x51: {  	_ =	shalt  }
0x52: {  	_ =	shalt  }
0x53: {  	_ =	shalt  }
0x54: {  	_ =	shalt  }
0x55: {  	_ =	shalt  }
0x56: {  	_ =	shalt  }
0x57: {  	_ =	shalt  }
0x58: {  	_ =	shalt  }
0x59: {  	_ =	shalt  }
0x5a: {  	_ =	shalt  }
0x5b: {  	_ =	shalt  }
0x5c: {  	_ =	shalt  }
0x5d: {  	_ =	shalt  }
0x5e: {  	_ =	shalt  }
0x5f: {  	_ =	shalt  }
0x60: {  	_ =	shalt  }
0x61: {  	_ =	shalt  }
0x62: {  	_ =	shalt  }
0x63: {  	_ =	shalt  }
0x64: {  	_ =	shalt  }
0x65: {  	_ =	shalt  }
0x66: {  	_ =	shalt  }
0x67: {  	_ =	shalt  }
0x68: {  	_ =	shalt  }
0x69: {  	_ =	shalt  }
0x6a: {  	_ =	shalt  }
0x6b: {  	_ =	shalt  }
0x6c: {  	_ =	shalt  }
0x6d: {  	_ =	shalt  }
0x6e: {  	_ =	shalt  }
0x6f: {  	_ =	shalt  }
0x70: {  	_ =	shalt  }
0x71: {  	_ =	shalt  }
0x72: {  	_ =	shalt  }
0x73: {  	_ =	shalt  }
0x74: {  	_ =	shalt  }
0x75: {  	_ =	shalt  }
0x76: {  	_ =	shalt  }
0x77: {  	_ =	shalt  }
0x78: {  	_ =	shalt  }
0x79: {  	_ =	shalt  }
0x7a: {  	_ =	shalt  }
0x7b: {  	_ =	shalt  }
0x7c: {  	_ =	shalt  }
0x7d: {  	_ =	shalt  }
0x7e: {  	_ =	shalt  }
0x7f: {  	_ =	shalt  }
0x80: {  	_ =	shalt  }
0x81: {  	_ =	shalt  }
0x82: {  	_ =	shalt  }
0x83: {  	_ =	shalt  }
0x84: {  	_ =	shalt  }
0x85: {  	_ =	shalt  }
0x86: {  	_ =	shalt  }
0x87: {  	_ =	shalt  }
.Lfunc_end0:
.L_simem_size_0:
called_computation_lowered:
.L_overlay_start_0:
0x88: {  	s2 =	sld [smem:$0x3FD9]  }
0x89: {  	s3 =	sld [smem:$0x3FFE];
	_ =	sdelay $0x1  }
0x8a: {  	s1 =	srdreg.scid  }
0x8b: {  	s0 =	sand.u32 $0x1, s1  }
0x8c: {  	s17 =	sshll.u32 s0, $0xA;
	s2 =	sadd.s32 s3, s2  }
0x8d: {  	s2 =	sadd.s32 s2, s17  }
0x8e: {  	[smem:$0x3FC2] =	sst s2  }
0x8f: {  	_ = 	snop  }
0x90: {  	s2 =	sld [smem:$0x3FD0];
	(tm) =	ssettm $0x1  }
0x91: {  	s18 =	sld [smem:$0x3FFB];
	_ =	sdelay $0x3  }
0x92: {  	_ =	strace s18  }
0x93: {  	s3 =	sld [smem:$0x3FFC];
	_ =	sdelay $0x3  }
0x94: {  	_ =	strace s3  }
0x95: {  	s3 =	sld [smem:$0x3FFD];
	_ =	sdelay $0x3  }
0x96: {  	_ =	strace s3  }
0x97: {  	_ =	strace $0x8FFFFFFF  }
0x98: {  	s19 =	sld [smem:$0x3FDB];
	_ =	sdelay $0x1  }
0x99: {  	s4 =	simm.s32 $_scs_section_size  }
0x9a: {  	s5 =	simm.s32 $_size__tile_overlayer_lowered;
	s6 =	simm.s32 $_tile_overlayer_lowered  }
0x9b: {  	s22 =	simm.s32 $0x1BFF;
	s21 =	sshll.u32 s6, $0x1;
	s3 =	sadd.s32 s4, s19  }
0x9c: {  	s7 =	simm.s32 $0x0;
	s20 =	sshll.u32 s5, $0x1;
	s5 =	sadd.s32 s21, s3  }
0x9d: {  	[timem:s7], [sflag:s22] =	dma.local [hbm:s5], s20  }
0x9e: {  	_ =	swait.ge [sflag:s22], s20  }
0x9f: {  	s4 =	ssub.s32 $0x0, s20;
	[sflag:s22] =	ssyncset.done $0x0  }
0xa0: {  	[sflag:s22] =	ssyncadd.s32 s4;
	_ =	sdelay $0x1  }
0xa1: {  	s23 =	simm.s32 $0x1B8B  }
0xa2: {  	_ =	swait.ge [sflag:s23], $0x1  }
0xa3: {  	[sflag:s23] =	ssyncset.done $0x0  }
0xa4: {  	s25 =	simm.s32 $0x1B8E;
	s24 =	sld [smem:$0x3FFE];
	[sflag:s23] =	ssyncadd.s32 $0xFFFFFFFF  }
0xa5: {  	s26 =	simm.s32 $execute0_lowered;
	[smem:$0x3FD2] =	sst s25  }
0xa6: {  	s5 =	sshll.u32 s26, $0x1;
	_ =	strace $0x80000046;
	[dreg:$0x1] =	wrdreg $0xFFFFFFFF  }
0xa7: {  	s28 =	simm.s32 $_size_execute0_lowered;
	s3 =	sadd.s32 s3, s5;
	[dreg:$0x0] =	wrdreg $0x0  }
0xa8: {  	s5 =	sshll.u32 s28, $0x1;
	[dreg:$0x2] =	wrdreg s3  }
0xa9: {  	[dreg:$0x3] =	wrdreg s5  }
0xaa: {  	[dreg:$0x4] =	wrdreg $0xC0  }
0xab: {  	_ =	task [dreg:s7], $0x5FFFF  }
0xac: {  	[dreg:$0x1] =	wrdreg $0xFFFFFFFF  }
0xad: {  	[dreg:$0x0] =	wrdreg $0x60  }
0xae: {  	[dreg:$0x2] =	wrdreg s2  }
0xaf: {  	[dreg:$0x3] =	wrdreg s24  }
0xb0: {  	[dreg:$0x4] =	wrdreg $0x9  }
0xb1: {  	_ =	task.clear_ibuf [dreg:s7], $0x5FFFF;
	_ =	strace $0x90000046  }
0xb2: {  	s29 =	simm.s32 $0x9;
	_ =	strace $0x80000048  }
0xb3: {  	_ =	swait.ge [sflag:s29], $0x1  }
0xb4: {  	[sflag:s29] =	ssyncadd.s32 $0xFFFFFFFF  }
0xb5: {  	_ =	strace $0x90000048  }
0xb6: {  	_ =	sfence  }
0xb7: {  	s30 =	sld [smem:$0x0];
	_ =	sdelay $0x2  }
0xb8: {  	s31 =	sshll.u32 s1, $0xD;
	s1 =	sshrl.u32 s1, $0x2  }
0xb9: {  	s3 =	sand.u32 $0x4000, s31;
	s1 =	sadd.s32 s1, s30  }
0xba: {  	s0 =	sor.u32 s3, s0;
	s1 =	sshll.u32 s1, $0x11  }
0xbb: {  	s0 =	sor.u32 s1, s0  }
0xbc: {  	s0 =	sadd.s32 $0x8F2B, s0  }
0xbd: {  	[sflag:s0] =	ssyncadd.remote.s32 $0x1  }
0xbe: {  	_ =	sfence.sel $0xFFFF  }
0xbf: {  	[dreg:$0x0] =	wrdreg $0xFFFFFFFF;
	(pc) =	sbr.abs _section_cstart, $3  }
0xc0: {  	[dreg:$0x1] =	wrdreg $0xFFFFFFFF  }
0xc1: {  	_ =	task.clear_ibuf [dreg:s7], $0x2FFFF;
	_ =	strace $0x9FFFFFFF  }
0xc2: {  	(tm) =	ssettm $0x7FFFFFFF  }
0xc3: {  	_ =	shalt  }
tec
execute0_lowered:
.L_overlay_start_1:
0x0: {  	(tag) =	ssettag $0x1  }
0x1: {  	s6 =	rddreg [dreg:$0x0];
	s2 =	srdreg.scid  }
0x2: {  	s7 =	rddreg [dreg:$0x1];
	s1 =	stileid.u32;
	s8 =	sand.u32 $0x1, s2  }
0x3: {  	s0 =	rddreg [dreg:$0x2];
	s3 =	sshll.u32 s1, $0x5;
	s4 =	sshll.u32 s8, $0x4  }
0x4: {  	s5 =	simm.s32 $0x2;
	s2 =	simm.s32 $0x0;
	s9 =	sor.u32 s4, s3  }
0x5: {  	[smem:$0x7FF] =	sst s2;
	s8 =	ssub.s32 $0x2, s8;
	s3 =	sadd.s32 s9, s7  }
0x6: {  	_ =	strace $0x80000047;
	s4 =	simm.s32 $0x80;
	s3 =	sadd.s32 $0x1200, s3  }
0x7: {  	[tilespmem:s4], [sflag:$0x2] =	stream.linear.gather [hbm4b:s3+s2], $0x80, $0x38;
	[tilespmem:$0x100] =	vst v63  }
0x8: {  	s31 =	sshrl.u32 s8, $0x1;
	_ =	swait.ge [sflag:s5], $0x80  }
0x9: {  	s8 =	ssub.s32 s8, s31;
	[sflag:s5] =	ssyncset.done $0x0  }
0xa: {  	s6 =	sadd.s32 s6, s9;
	s9 =	smax.u32 s8, $0x1;
	[sflag:s5] =	ssyncadd.s32 $0xFFFFFF80  }
0xb: {  	[tilespmem:s2], [sflag:$0x2] =	stream.linear.gather [hbm4b:s6+s2], $0x80, $0x38;
	[tilespmem:$0x100] =	vst v63  }
0xc: {  	p0 =	sne.s32 s9, $0x1;
	_ =	swait.ge [sflag:s5], $0x80  }
.Ltmp0:
0xd: {  	[sflag:s5] =	ssyncset.done $0x0;
	(pc) =	sbr.rel @!p0 .LBB2_2-.Ltmp0, $4  }
0xe: {  	s7 =	sadd.s32 $0x1400, s7;
	s8 =	simm.s32 $0x1;
	[sflag:s5] =	ssyncadd.s32 $0xFFFFFF80  }
0xf: {  	[hbm4b:s7+s4] =	stream.indirect.scatter [tilespmem:s2], [sflag:$0x1], $0x1, s4, s4, $0xb8;
	[tilespmem:$0x100] =	vst v63  }
0x10: {  	_ =	swait.ge [sflag:s8], $0x80  }
0x11: {  	s9 =	sadd.s32 $0xFFFFFFFF, s9;
	[sflag:s8] =	ssyncset.done $0x0  }
.LBB2_1:
0x12: {  	p0 =	sne.s32 s9, $0x1;
	s9 =	sadd.s32 $0xFFFFFFFF, s9;
	[sflag:s8] =	ssyncadd.s32 $0xFFFFFF80  }
0x13: {  	[tilespmem:s4], [sflag:$0x2] =	stream.linear.gather [hbm4b:s3+s2], $0x80, $0x38;
	[tilespmem:$0x100] =	vst v63  }
0x14: {  	_ =	swait.ge [sflag:s5], $0x80  }
0x15: {  	[sflag:s5] =	ssyncset.done $0x0  }
0x16: {  	[sflag:s5] =	ssyncadd.s32 $0xFFFFFF80  }
0x17: {  	[tilespmem:s2], [sflag:$0x2] =	stream.linear.gather [hbm4b:s6+s2], $0x80, $0x38;
	[tilespmem:$0x100] =	vst v63  }
0x18: {  	_ =	swait.ge [sflag:s5], $0x80  }
.Ltmp1:
0x19: {  	[sflag:s5] =	ssyncset.done $0x0;
	(pc) =	sbr.rel @p0 .LBB2_1-.Ltmp1, $4  }
0x1a: {  	[sflag:s5] =	ssyncadd.s32 $0xFFFFFF80  }
0x1b: {  	[hbm4b:s7+s4] =	stream.indirect.scatter [tilespmem:s2], [sflag:$0x1], $0x1, s4, s4, $0xb8;
	[tilespmem:$0x100] =	vst v63  }
0x1c: {  	_ =	swait.ge [sflag:s8], $0x80  }
0x1d: {  	[sflag:s8] =	ssyncset.done $0x0  }
.LBB2_2:
0x1e: {  	[sflag:s8] =	ssyncadd.s32 $0xFFFFFF80  }
0x1f: {  	_ =	sfence.sel $0x180000  }
0x20: {  	[bflag:$0x0] =	sbarrier.arrive $0xFFFF  }
0x21: {  	p0 =	sne.s32 s1, $0x0;
	_ =	strace $0x90000047  }
0x22: {  	s0 =	sadd.s32 @!p0 $0x100000, s0;
	[bflag:$0x2] =	sbarrier.arrive $0xFFFF  }
0x23: {  	[sflag:s0] =	ssyncadd.tile.s32 @!p0 $0x1;
	_ =	shalt  }
.Lfunc_end2:
_tile_overlayer_lowered:
.L_overlay_start_2:
0x24: {  	(tag) =	ssettag $0x2  }
0x25: {  	s0 =	rddreg [dreg:$0x0];
	s2 =	stileid.u32  }
0x26: {  	s1 =	rddreg [dreg:$0x1];
	p0 =	sne.s32 s2, $0x0  }
0x27: {  	s3 =	rddreg [dreg:$0x2];
	[bflag:$0x3] =	sbarrier.arrive $0xFFFF;
	s2 =	simm.s32 @!p0 $0x1C02  }
0x28: {  	[timem:s3], [sflag:s2] =	dma.local @!p0 [hbm:s0], s1  }
0x29: {  	s0 =	simm.s32 @!p0 $0x2  }
0x2a: {  	_ =	swait.ge @!p0 [sflag:s0], s1  }
0x2b: {  	s1 =	ssub.s32 @!p0 $0x0, s1;
	[sflag:s0] =	ssyncset.done @!p0 $0x0  }
0x2c: {  	[sflag:s0] =	ssyncadd.s32 @!p0 s1  }
0x2d: {  	[bflag:$0x3] =	sbarrier.arrive $0xFFFF  }
0x2e: {  	_ =	shalt  }

</sc_bundles>
